<compile_context>
chip_gen: v7x
topology: tpu7x:2x2x1
jax: 0.10.2.dev20260603
libtpu: 0.0.44.dev20260713+nightly
codegen_flags: <defaults>
</compile_context>

<pallas_src>
import functools

import jax
import jax.numpy as jnp
from jax import lax
from jax.experimental import pallas as pl
from jax.experimental.pallas import tpu as pltpu
from jax.experimental.pallas import tpu_sc as plsc

_GROUP = 2736
_NGROUP = 3
_HIST_LO = 128

_SC_CORES = 2
_SC_SUBCORES = 16
_SC_WORKERS = _SC_CORES * _SC_SUBCORES
_SC_CHUNK = 128


def _dist_argmin_body(n_codes, zsq_ref, z_ref, cb_ref, idx_ref, perp_ref,
                      runmin_ref, runidx_ref, hist_ref):
    b = pl.program_id(0)
    k = pl.program_id(1)
    nb = pl.num_programs(0)
    nk = pl.num_programs(1)
    zb = z_ref[0]
    cbk = cb_ref[...]
    kb, hw = cbk.shape[0], zb.shape[1]

    mm = lax.dot_general(cbk.astype(jnp.bfloat16), zb.astype(jnp.bfloat16),
                         (((1,), (0,)), ((), ())),
                         preferred_element_type=jnp.float32)
    zsq = zsq_ref[0]
    csq = jnp.sum(cbk * cbk, axis=1, keepdims=True)
    d = (zsq + csq) - 2.0 * mm

    bmin = jnp.min(d, axis=0, keepdims=True)
    row = lax.broadcasted_iota(jnp.int32, d.shape, 0)
    barg = jnp.min(jnp.where(d == bmin, row, kb * nk),
                   axis=0, keepdims=True) + k * kb

    @pl.when(k == 0)
    def _():
        runmin_ref[...] = bmin.astype(jnp.bfloat16).astype(jnp.float32)
        runidx_ref[...] = barg

    @pl.when(k > 0)
    def _():
        upd = bmin < runmin_ref[...]
        runidx_ref[...] = jnp.where(upd, barg, runidx_ref[...])
        sel = jnp.where(upd, bmin, runmin_ref[...])
        runmin_ref[...] = sel.astype(jnp.bfloat16).astype(jnp.float32)

    @pl.when(k == nk - 1)
    def _():
        fi = runidx_ref[...]
        idx_ref[...] = fi.reshape(1, 1, hw)
        hist_hi = hist_ref.shape[0]
        hi = lax.shift_right_arithmetic(fi, 7)
        lo = jnp.bitwise_and(fi, _HIST_LO - 1)
        oh_hi = (lax.broadcasted_iota(jnp.int32, (hist_hi, hw), 0)
                 == hi).astype(jnp.float32)
        oh_lo = (lax.broadcasted_iota(jnp.int32, (_HIST_LO, hw), 0)
                 == lo).astype(jnp.float32)
        h2 = lax.dot_general(oh_hi, oh_lo, (((1,), (1,)), ((), ())),
                             preferred_element_type=jnp.float32)

        @pl.when(b == 0)
        def _():
            hist_ref[...] = h2

        @pl.when(b > 0)
        def _():
            hist_ref[...] = hist_ref[...] + h2

        @pl.when(b == nb - 1)
        def _():
            p = hist_ref[...] / jnp.float32(nb * hw)
            plogp = p * jnp.log(jnp.clip(p, 1e-10, None))
            ent = jnp.sum(plogp, axis=(0, 1), keepdims=True)
            perp_ref[...] = jnp.exp(-ent)


def _tc_dist_argmin(zsq3, z3, cb_pad, n_codes):
    B, D, HW = z3.shape
    grid = (B, _NGROUP)
    return pl.pallas_call(
        functools.partial(_dist_argmin_body, n_codes),
        grid=grid,
        in_specs=[
            pl.BlockSpec((1, 1, HW), lambda b, k: (b, 0, 0)),
            pl.BlockSpec((1, D, HW), lambda b, k: (b, 0, 0)),
            pl.BlockSpec((_GROUP, D), lambda b, k: (k, 0)),
        ],
        out_specs=[
            pl.BlockSpec((1, 1, HW), lambda b, k: (b, 0, 0)),
            pl.BlockSpec((1, 1), lambda b, k: (0, 0)),
        ],
        out_shape=[
            jax.ShapeDtypeStruct((B, 1, HW), jnp.int32),
            jax.ShapeDtypeStruct((1, 1), jnp.float32),
        ],
        scratch_shapes=[
            pltpu.VMEM((1, HW), jnp.float32),
            pltpu.VMEM((1, HW), jnp.int32),
            pltpu.VMEM((n_codes // _HIST_LO, _HIST_LO), jnp.float32),
        ],
    )(zsq3, z3, cb_pad)


def _sc_gather(codebook, indices):
    n_rows = indices.shape[0]
    d = codebook.shape[1]
    rows_per_worker = n_rows // _SC_WORKERS
    chunks = rows_per_worker // _SC_CHUNK
    mesh = plsc.VectorSubcoreMesh(core_axis_name="c", subcore_axis_name="s")

    @functools.partial(
        pl.kernel,
        mesh=mesh,
        out_type=jax.ShapeDtypeStruct((n_rows, d), jnp.float32),
        scratch_types=[
            pltpu.VMEM((_SC_CHUNK,), jnp.int32),
            pltpu.VMEM((_SC_CHUNK, d), jnp.float32),
            pltpu.SemaphoreType.DMA,
        ],
    )
    def gather_kernel(table_hbm, idx_hbm, out_hbm, idx_v, rows_v, sem):
        wid = lax.axis_index("s") * _SC_CORES + lax.axis_index("c")
        base0 = wid * rows_per_worker

        @pl.loop(0, chunks)
        def _(c):
            base = base0 + c * _SC_CHUNK
            pltpu.sync_copy(idx_hbm.at[pl.ds(base, _SC_CHUNK)], idx_v)
            pltpu.async_copy(table_hbm.at[idx_v], rows_v, sem).wait()
            pltpu.sync_copy(rows_v, out_hbm.at[pl.ds(base, _SC_CHUNK)])

    return gather_kernel(codebook, indices)


def kernel(z, codebook):
    B, C, H, W = z.shape
    K, D = codebook.shape
    HW = H * W
    flat_z = jnp.transpose(z, (0, 2, 3, 1)).reshape(-1, C)
    zsq3 = jnp.sum(flat_z**2, axis=1).reshape(B, 1, HW)
    pad = jnp.zeros((_NGROUP * _GROUP - K, D), jnp.float32)
    pad = pad.at[:, 0].set(128.0)
    cb_pad = jnp.concatenate([codebook, pad], axis=0)
    z3 = z.reshape(B, C, HW)
    idx3, perp = _tc_dist_argmin(zsq3, z3, cb_pad, K)
    indices = idx3.reshape(B * HW)
    rows = _sc_gather(codebook, indices)
    q = jnp.transpose(rows.reshape(B, H, W, C), (0, 3, 1, 2))
    q_st = z + lax.stop_gradient(q - z)
    return (q, q_st, indices, perp.reshape(()))

# --- scband reference (transcript-rebuilt; emitter-appended) ---
"""Pipeline reference for scband-vector-quantizer-51642686767885 (READ-ONLY COPY).

The authoritative reference and input builder live on the scoring server;
editing this copy changes nothing except your own understanding.
"""

import jax, jax.numpy as jnp
import numpy as np

K_CODES = 8192
D_CODE = 256

def setup_inputs(seed: int = 0) -> dict:
    key = jax.random.key(seed)
    k1, k2 = jax.random.split(key)
    z = jax.random.normal(k1, (16, 256, 32, 32), dtype=jnp.float32)
    codebook = jax.random.uniform(k2, (K_CODES, D_CODE), dtype=jnp.float32, minval=-1.0 / K_CODES, maxval=1.0 / K_CODES)
    return {"z": z, "codebook": codebook}

def reference(z, codebook):
    B, C, H, W = z.shape
    flat_z = jnp.transpose(z, (0, 2, 3, 1)).reshape(-1, C)
    dists = (jnp.sum(flat_z ** 2, axis=1, keepdims=True)
             + jnp.sum(codebook ** 2, axis=1)
             - 2.0 * (flat_z @ codebook.T))
    indices = jnp.argmin(dists, axis=1)
    quantized_z = jnp.take(codebook, indices, axis=0).reshape(B, H, W, C)
    quantized_z = jnp.transpose(quantized_z, (0, 3, 1, 2))
    quantized_z_st = z + jax.lax.stop_gradient(quantized_z - z)
    num_codes = codebook.shape[0]
    indices_one_hot = jax.nn.one_hot(indices, num_codes, dtype=jnp.float32)
    probs = jnp.mean(indices_one_hot, axis=0)
    perplexity = jnp.exp(-jnp.sum(probs * jnp.log(jnp.clip(probs, 1e-10, None))))
    return (quantized_z, quantized_z_st, indices, perplexity)

if __name__ == "__main__":
    import jax
    _d = setup_inputs()
    print(jax.jit(kernel)(*tuple(_d.values())))

</pallas_src>

<mosaic_0001>
#map = affine_map<(d0, d1) -> (0, 0)>
#map1 = affine_map<(d0, d1) -> (0)>
module attributes {stable_mosaic.version = 14 : i64} {
  func.func @gather_kernel(%arg0: i32, %arg1: i32, %arg2: memref<8192x256xf32, #tpu.memory_space<hbm>>, %arg3: memref<16384xi32, #tpu.memory_space<hbm>>, %arg4: memref<16384x256xf32, #tpu.memory_space<hbm>>, %arg5: memref<128xi32, #tpu.memory_space<vmem>>, %arg6: memref<128x256xf32, #tpu.memory_space<vmem>>, %arg7: memref<!tpu.dma_semaphore, #tpu.memory_space<semaphore_mem>>) attributes {dimension_semantics = [#tpu.dimension_semantics<core_parallel>, #tpu.dimension_semantics<subcore_parallel>], iteration_bounds = array<i64: 2, 16>, scalar_prefetch = 0 : i64, scratch_operands = 3 : i64, tpu.core_type = #tpu.core_type<sc_vector_subcore>, window_params = [{transform_indices = #map}, {transform_indices = #map1}, {transform_indices = #map}]} {
    %mul3A = arith.constant 2 : i32
    %mul3A_0 = arith.muli %arg1, %mul3A : i32
    %add3A = arith.addi %mul3A_0, %arg0 : i32
    %mul3A_1 = arith.constant 512 : i32
    %mul3A_2 = arith.muli %add3A, %mul3A_1 : i32
    %scan3A = arith.constant 0 : i32
    %scan3A_3 = arith.constant 4 : i32
    %scan3A_4 = arith.addi %scan3A, %scan3A_3 : i32
    %scan3A_5 = arith.constant 1 : i32
    scf.for %scan3A_7 = %scan3A to %scan3A_4 step %scan3A_5  : i32 {
      %mul3A_8 = arith.constant 1 : i32
      %mul3A_9 = arith.muli %scan3A_7, %mul3A_8 : i32
      %add3A_10 = arith.constant 0 : i32
      %add3A_11 = arith.addi %add3A_10, %mul3A_9 : i32
      %mul3A_12 = arith.constant 128 : i32
      %mul3A_13 = arith.muli %add3A_11, %mul3A_12 : i32
      %add3A_14 = arith.addi %mul3A_2, %mul3A_13 : i32
      "tpu.region"() ({
        %run_scoped3A = tpu.sem_alloc : memref<!tpu.dma_semaphore, #tpu.memory_space<semaphore_mem>>
        %dma_start3A_19 = tpu.memref_slice %arg3[%add3A_14] : memref<16384xi32, #tpu.memory_space<hbm>> -> memref<128xi32, #tpu.memory_space<hbm>>
        %dma_start3A_20 = tpu.memref_slice %arg3[%add3A_14] : memref<16384xi32, #tpu.memory_space<hbm>> -> memref<128xi32, #tpu.memory_space<hbm>>
        tpu.enqueue_dma source(%dma_start3A_20 : memref<128xi32, #tpu.memory_space<hbm>>) target(%arg5 : memref<128xi32, #tpu.memory_space<vmem>>) target_semaphore(%run_scoped3A : memref<!tpu.dma_semaphore, #tpu.memory_space<semaphore_mem>>)
        %dma_wait3A_21 = tpu.memref_slice %arg3[%add3A_14] : memref<16384xi32, #tpu.memory_space<hbm>> -> memref<128xi32, #tpu.memory_space<hbm>>
        %dma_wait3A_22 = tpu.memref_slice %arg3[%add3A_14] : memref<16384xi32, #tpu.memory_space<hbm>> -> memref<128xi32, #tpu.memory_space<hbm>>
        tpu.wait_dma2 semaphore(%run_scoped3A : memref<!tpu.dma_semaphore, #tpu.memory_space<semaphore_mem>>) src(%dma_wait3A_22 : memref<128xi32, #tpu.memory_space<hbm>>) dst(%arg5 : memref<128xi32, #tpu.memory_space<vmem>>)
        tpu.yield
      }) : () -> ()
      %dma_start3A = arith.constant 0 : i32
      %dma_start3A_15 = arith.constant 0 : i32
      %dma_start3A_16 = tpu.memref_slice %arg2[%dma_start3A, %dma_start3A_15] : memref<8192x256xf32, #tpu.memory_space<hbm>> -> memref<8192x256xf32, #tpu.memory_space<hbm>>
      tpu.enqueue_indirect_dma source(%dma_start3A_16 : memref<8192x256xf32, #tpu.memory_space<hbm>>) target(%arg6 : memref<128x256xf32, #tpu.memory_space<vmem>>) offsets(%arg5 : memref<128xi32, #tpu.memory_space<vmem>>) semaphore(%arg7 : memref<!tpu.dma_semaphore, #tpu.memory_space<semaphore_mem>>)
      %dma_wait3A = arith.constant 0 : i32
      %dma_wait3A_17 = arith.constant 0 : i32
      %dma_wait3A_18 = tpu.memref_slice %arg2[%dma_wait3A, %dma_wait3A_17] : memref<8192x256xf32, #tpu.memory_space<hbm>> -> memref<8192x256xf32, #tpu.memory_space<hbm>>
      tpu.wait_indirect_dma semaphore(%arg7 : memref<!tpu.dma_semaphore, #tpu.memory_space<semaphore_mem>>) src(%dma_wait3A_18 : memref<8192x256xf32, #tpu.memory_space<hbm>>) dst(%arg6 : memref<128x256xf32, #tpu.memory_space<vmem>>)
      "tpu.region"() ({
        %run_scoped3A = tpu.sem_alloc : memref<!tpu.dma_semaphore, #tpu.memory_space<semaphore_mem>>
        %dma_start3A_19 = arith.constant 0 : i32
        %dma_start3A_20 = tpu.memref_slice %arg4[%add3A_14, %dma_start3A_19] : memref<16384x256xf32, #tpu.memory_space<hbm>> -> memref<128x256xf32, #tpu.memory_space<hbm>>
        %dma_start3A_21 = arith.constant 0 : i32
        %dma_start3A_22 = tpu.memref_slice %arg4[%add3A_14, %dma_start3A_21] : memref<16384x256xf32, #tpu.memory_space<hbm>> -> memref<128x256xf32, #tpu.memory_space<hbm>>
        tpu.enqueue_dma source(%arg6 : memref<128x256xf32, #tpu.memory_space<vmem>>) target(%dma_start3A_22 : memref<128x256xf32, #tpu.memory_space<hbm>>) target_semaphore(%run_scoped3A : memref<!tpu.dma_semaphore, #tpu.memory_space<semaphore_mem>>)
        %dma_wait3A_23 = arith.constant 0 : i32
        %dma_wait3A_24 = tpu.memref_slice %arg4[%add3A_14, %dma_wait3A_23] : memref<16384x256xf32, #tpu.memory_space<hbm>> -> memref<128x256xf32, #tpu.memory_space<hbm>>
        %dma_wait3A_25 = arith.constant 0 : i32
        %dma_wait3A_26 = tpu.memref_slice %arg4[%add3A_14, %dma_wait3A_25] : memref<16384x256xf32, #tpu.memory_space<hbm>> -> memref<128x256xf32, #tpu.memory_space<hbm>>
        tpu.wait_dma2 semaphore(%run_scoped3A : memref<!tpu.dma_semaphore, #tpu.memory_space<semaphore_mem>>) src(%arg6 : memref<128x256xf32, #tpu.memory_space<vmem>>) dst(%dma_wait3A_26 : memref<128x256xf32, #tpu.memory_space<hbm>>)
        tpu.yield
      }) : () -> ()
    }
    %scan3A_6 = arith.constant 4 : i32
    return
  }
}

module attributes {stable_mosaic.version = 14 : i64} {
  func.func @_dist_argmin_body(%arg0: i32, %arg1: i32, %arg2: memref<1x1x1024xf32, #tpu.memory_space<vmem>>, %arg3: memref<1x256x1024xf32, #tpu.memory_space<vmem>>, %arg4: memref<2736x256xf32, #tpu.memory_space<vmem>>, %arg5: memref<1x1x1024xi32, #tpu.memory_space<vmem>>, %arg6: memref<1x1xf32, #tpu.memory_space<vmem>>, %arg7: memref<1x1024xf32, #tpu.memory_space<vmem>>, %arg8: memref<1x1024xi32, #tpu.memory_space<vmem>>, %arg9: memref<64x128xf32, #tpu.memory_space<vmem>>) attributes {dimension_semantics = [#tpu.dimension_semantics<arbitrary>, #tpu.dimension_semantics<arbitrary>], iteration_bounds = array<i64: 16, 3>, scalar_prefetch = 0 : i64, scratch_operands = 3 : i64, tpu.core_type = #tpu.core_type<tc>, window_params = [{transform_indices = @transform_0, window_bounds = array<i64: 1, 1, 1024>}, {transform_indices = @transform_1, window_bounds = array<i64: 1, 256, 1024>}, {transform_indices = @transform_2, window_bounds = array<i64: 2736, 256>}, {transform_indices = @transform_3, window_bounds = array<i64: 1, 1, 1024>}, {pipeline_mode = #tpu.pipeline_mode<synchronous>, transform_indices = @transform_4, window_bounds = array<i64: 1, 1>}]} {
    %get3A = arith.constant 0 : index
    %get3A_0 = arith.constant 0 : index
    %get3A_1 = arith.constant 0 : index
    %get3A_2 = vector.load %arg3[%get3A, %get3A_0, %get3A_1] : memref<1x256x1024xf32, #tpu.memory_space<vmem>>, vector<1x256x1024xf32>
    %get3A_3 = vector.shape_cast %get3A_2 : vector<1x256x1024xf32> to vector<256x1024xf32>
    %get3A_4 = arith.constant 0 : index
    %get3A_5 = arith.constant 0 : index
    %get3A_6 = vector.load %arg4[%get3A_4, %get3A_5] : memref<2736x256xf32, #tpu.memory_space<vmem>>, vector<2736x256xf32>
    %convert_element_type3A = arith.truncf %get3A_6 : vector<2736x256xf32> to vector<2736x256xbf16>
    %convert_element_type3A_7 = arith.truncf %get3A_3 : vector<256x1024xf32> to vector<256x1024xbf16>
    %dot_general3A = arith.constant dense<0.000000e+00> : vector<2736x1024xf32>
    %dot_general3A_8 = tpu.matmul %convert_element_type3A, %convert_element_type3A_7, %dot_general3A {dimension_numbers = #tpu.dot_dimension_numbers<[1], [0], [0], [1], [0, 0, 1, 1], [], []>, transpose_lhs_hint = false} : vector<2736x256xbf16>, vector<256x1024xbf16>, vector<2736x1024xf32> -> vector<2736x1024xf32>
    %get3A_9 = arith.constant 0 : index
    %get3A_10 = arith.constant 0 : index
    %get3A_11 = arith.constant 0 : index
    %get3A_12 = vector.load %arg2[%get3A_9, %get3A_10, %get3A_11] : memref<1x1x1024xf32, #tpu.memory_space<vmem>>, vector<1x1x1024xf32>
    %get3A_13 = vector.shape_cast %get3A_12 : vector<1x1x1024xf32> to vector<1x1024xf32>
    %mul3A = arith.mulf %get3A_6, %get3A_6 : vector<2736x256xf32>
    %reduce_sum3A = arith.constant dense<0.000000e+00> : vector<2736xf32>
    %reduce_sum3A_14 = vector.multi_reduction <add>, %mul3A, %reduce_sum3A [1] : vector<2736x256xf32> to vector<2736xf32>
    %broadcast_in_dim3A = vector.shape_cast %reduce_sum3A_14 : vector<2736xf32> to vector<2736x1xf32>
    %add3A = vector.broadcast %get3A_13 : vector<1x1024xf32> to vector<2736x1024xf32>
    %add3A_15 = vector.broadcast %broadcast_in_dim3A : vector<2736x1xf32> to vector<2736x1024xf32>
    %add3A_16 = arith.addf %add3A, %add3A_15 : vector<2736x1024xf32>
    %mul3A_17 = arith.constant 2.000000e+00 : f32
    %mul3A_18 = vector.broadcast %mul3A_17 : f32 to vector<2736x1024xf32>
    %mul3A_19 = arith.mulf %mul3A_18, %dot_general3A_8 : vector<2736x1024xf32>
    %sub3A = arith.subf %add3A_16, %mul3A_19 : vector<2736x1024xf32>
    %reduce_min3A = arith.constant dense<0x7F800000> : vector<1024xf32>
    %reduce_min3A_20 = vector.multi_reduction <minimumf>, %sub3A, %reduce_min3A [0] : vector<2736x1024xf32> to vector<1024xf32>
    %broadcast_in_dim3A_21 = vector.shape_cast %reduce_min3A_20 : vector<1024xf32> to vector<1x1024xf32>
    %iota3A = tpu.iota {dimensions = array<i32: 0>} : vector<2736x1024xi32>
    %eq3A = vector.broadcast %broadcast_in_dim3A_21 : vector<1x1024xf32> to vector<2736x1024xf32>
    %eq3A_22 = arith.cmpf oeq, %sub3A, %eq3A : vector<2736x1024xf32>
    %jit3A = arith.constant 8208 : i32
    %broadcast_in_dim3A_23 = vector.broadcast %jit3A : i32 to vector<2736x1024xi32>
    %select_n3A = arith.select %eq3A_22, %iota3A, %broadcast_in_dim3A_23 : vector<2736x1024xi1>, vector<2736x1024xi32>
    %reduce_min3A_24 = arith.constant dense<2147483647> : vector<1024xi32>
    %reduce_min3A_25 = vector.multi_reduction <minsi>, %select_n3A, %reduce_min3A_24 [0] : vector<2736x1024xi32> to vector<1024xi32>
    %broadcast_in_dim3A_26 = vector.shape_cast %reduce_min3A_25 : vector<1024xi32> to vector<1x1024xi32>
    %mul3A_27 = arith.constant 2736 : i32
    %mul3A_28 = arith.muli %arg1, %mul3A_27 : i32
    %add3A_29 = vector.broadcast %mul3A_28 : i32 to vector<1x1024xi32>
    %add3A_30 = arith.addi %broadcast_in_dim3A_26, %add3A_29 : vector<1x1024xi32>
    %eq3A_31 = arith.constant 0 : i32
    %eq3A_32 = arith.cmpi eq, %arg1, %eq3A_31 : i32
    %convert_element_type3A_33 = arith.extui %eq3A_32 : i1 to i32
    %cond3A = arith.constant 0 : i32
    %cond3A_34 = arith.cmpi ne, %convert_element_type3A_33, %cond3A : i32
    scf.if %cond3A_34 {
      %convert_element_type3A_44 = arith.truncf %broadcast_in_dim3A_21 : vector<1x1024xf32> to vector<1x1024xbf16>
      %convert_element_type3A_45 = arith.extf %convert_element_type3A_44 : vector<1x1024xbf16> to vector<1x1024xf32>
      %swap3A = arith.constant 0 : index
      %swap3A_46 = arith.constant 0 : index
      %swap3A_47 = vector.load %arg7[%swap3A, %swap3A_46] : memref<1x1024xf32, #tpu.memory_space<vmem>>, vector<1x1024xf32>
      tpu.vector_store %arg7[%swap3A, %swap3A_46], %convert_element_type3A_45 {strides = array<i32>} : memref<1x1024xf32, #tpu.memory_space<vmem>>, vector<1x1024xf32>,
      %swap3A_48 = arith.constant 0 : index
      %swap3A_49 = arith.constant 0 : index
      %swap3A_50 = vector.load %arg8[%swap3A_48, %swap3A_49] : memref<1x1024xi32, #tpu.memory_space<vmem>>, vector<1x1024xi32>
      tpu.vector_store %arg8[%swap3A_48, %swap3A_49], %add3A_30 {strides = array<i32>} : memref<1x1024xi32, #tpu.memory_space<vmem>>, vector<1x1024xi32>,
    } else {
    }
    %gt3A = arith.constant 0 : i32
    %gt3A_35 = arith.cmpi sgt, %arg1, %gt3A : i32
    %convert_element_type3A_36 = arith.extui %gt3A_35 : i1 to i32
    %cond3A_37 = arith.constant 0 : i32
    %cond3A_38 = arith.cmpi ne, %convert_element_type3A_36, %cond3A_37 : i32
    scf.if %cond3A_38 {
      %get3A_44 = arith.constant 0 : index
      %get3A_45 = arith.constant 0 : index
      %get3A_46 = vector.load %arg7[%get3A_44, %get3A_45] : memref<1x1024xf32, #tpu.memory_space<vmem>>, vector<1x1024xf32>
      %lt3A = arith.cmpf olt, %broadcast_in_dim3A_21, %get3A_46 : vector<1x1024xf32>
      %get3A_47 = arith.constant 0 : index
      %get3A_48 = arith.constant 0 : index
      %get3A_49 = vector.load %arg8[%get3A_47, %get3A_48] : memref<1x1024xi32, #tpu.memory_space<vmem>>, vector<1x1024xi32>
      %select_n3A_50 = arith.select %lt3A, %add3A_30, %get3A_49 : vector<1x1024xi1>, vector<1x1024xi32>
      %swap3A = arith.constant 0 : index
      %swap3A_51 = arith.constant 0 : index
      %swap3A_52 = vector.load %arg8[%swap3A, %swap3A_51] : memref<1x1024xi32, #tpu.memory_space<vmem>>, vector<1x1024xi32>
      tpu.vector_store %arg8[%swap3A, %swap3A_51], %select_n3A_50 {strides = array<i32>} : memref<1x1024xi32, #tpu.memory_space<vmem>>, vector<1x1024xi32>,
      %get3A_53 = arith.constant 0 : index
      %get3A_54 = arith.constant 0 : index
      %get3A_55 = vector.load %arg7[%get3A_53, %get3A_54] : memref<1x1024xf32, #tpu.memory_space<vmem>>, vector<1x1024xf32>
      %select_n3A_56 = arith.select %lt3A, %broadcast_in_dim3A_21, %get3A_55 : vector<1x1024xi1>, vector<1x1024xf32>
      %convert_element_type3A_57 = arith.truncf %select_n3A_56 : vector<1x1024xf32> to vector<1x1024xbf16>
      %convert_element_type3A_58 = arith.extf %convert_element_type3A_57 : vector<1x1024xbf16> to vector<1x1024xf32>
      %swap3A_59 = arith.constant 0 : index
      %swap3A_60 = arith.constant 0 : index
      %swap3A_61 = vector.load %arg7[%swap3A_59, %swap3A_60] : memref<1x1024xf32, #tpu.memory_space<vmem>>, vector<1x1024xf32>
      tpu.vector_store %arg7[%swap3A_59, %swap3A_60], %convert_element_type3A_58 {strides = array<i32>} : memref<1x1024xf32, #tpu.memory_space<vmem>>, vector<1x1024xf32>,
    } else {
    }
    %eq3A_39 = arith.constant 2 : i32
    %eq3A_40 = arith.cmpi eq, %arg1, %eq3A_39 : i32
    %convert_element_type3A_41 = arith.extui %eq3A_40 : i1 to i32
    %cond3A_42 = arith.constant 0 : i32
    %cond3A_43 = arith.cmpi ne, %convert_element_type3A_41, %cond3A_42 : i32
    scf.if %cond3A_43 {
      %get3A_44 = arith.constant 0 : index
      %get3A_45 = arith.constant 0 : index
      %get3A_46 = vector.load %arg8[%get3A_44, %get3A_45] : memref<1x1024xi32, #tpu.memory_space<vmem>>, vector<1x1024xi32>
      %reshape3A = vector.shape_cast %get3A_46 : vector<1x1024xi32> to vector<1x1x1024xi32>
      %swap3A = arith.constant 0 : index
      %swap3A_47 = arith.constant 0 : index
      %swap3A_48 = arith.constant 0 : index
      %swap3A_49 = vector.load %arg5[%swap3A, %swap3A_47, %swap3A_48] : memref<1x1x1024xi32, #tpu.memory_space<vmem>>, vector<1x1x1024xi32>
      tpu.vector_store %arg5[%swap3A, %swap3A_47, %swap3A_48], %reshape3A {strides = array<i32>} : memref<1x1x1024xi32, #tpu.memory_space<vmem>>, vector<1x1x1024xi32>,
      %shift_right_arithmetic3A = arith.constant 7 : i32
      %shift_right_arithmetic3A_50 = vector.broadcast %shift_right_arithmetic3A : i32 to vector<1x1024xi32>
      %shift_right_arithmetic3A_51 = arith.shrsi %get3A_46, %shift_right_arithmetic3A_50 : vector<1x1024xi32>
      %and3A = arith.constant 127 : i32
      %and3A_52 = vector.broadcast %and3A : i32 to vector<1x1024xi32>
      %and3A_53 = arith.andi %get3A_46, %and3A_52 : vector<1x1024xi32>
      %iota3A_54 = tpu.iota {dimensions = array<i32: 0>} : vector<64x1024xi32>
      %eq3A_55 = vector.broadcast %shift_right_arithmetic3A_51 : vector<1x1024xi32> to vector<64x1024xi32>
      %eq3A_56 = arith.cmpi eq, %iota3A_54, %eq3A_55 : vector<64x1024xi32>
      %convert_element_type3A_57 = arith.extui %eq3A_56 : vector<64x1024xi1> to vector<64x1024xi32>
      %convert_element_type3A_58 = arith.sitofp %convert_element_type3A_57 : vector<64x1024xi32> to vector<64x1024xf32>
      %iota3A_59 = tpu.iota {dimensions = array<i32: 0>} : vector<128x1024xi32>
      %eq3A_60 = vector.broadcast %and3A_53 : vector<1x1024xi32> to vector<128x1024xi32>
      %eq3A_61 = arith.cmpi eq, %iota3A_59, %eq3A_60 : vector<128x1024xi32>
      %convert_element_type3A_62 = arith.extui %eq3A_61 : vector<128x1024xi1> to vector<128x1024xi32>
      %convert_element_type3A_63 = arith.sitofp %convert_element_type3A_62 : vector<128x1024xi32> to vector<128x1024xf32>
      %dot_general3A_64 = arith.constant dense<0.000000e+00> : vector<64x128xf32>
      %dot_general3A_65 = tpu.matmul %convert_element_type3A_58, %convert_element_type3A_63, %dot_general3A_64 {dimension_numbers = #tpu.dot_dimension_numbers<[1], [1], [0], [0], [0, 0, 1, 0], [], []>, transpose_lhs_hint = false} : vector<64x1024xf32>, vector<128x1024xf32>, vector<64x128xf32> -> vector<64x128xf32>
      %eq3A_66 = arith.constant 0 : i32
      %eq3A_67 = arith.cmpi eq, %arg0, %eq3A_66 : i32
      %convert_element_type3A_68 = arith.extui %eq3A_67 : i1 to i32
      %cond3A_69 = arith.constant 0 : i32
      %cond3A_70 = arith.cmpi ne, %convert_element_type3A_68, %cond3A_69 : i32
      scf.if %cond3A_70 {
        %swap3A_81 = arith.constant 0 : index
        %swap3A_82 = arith.constant 0 : index
        %swap3A_83 = vector.load %arg9[%swap3A_81, %swap3A_82] : memref<64x128xf32, #tpu.memory_space<vmem>>, vector<64x128xf32>
        tpu.vector_store %arg9[%swap3A_81, %swap3A_82], %dot_general3A_65 {strides = array<i32>} : memref<64x128xf32, #tpu.memory_space<vmem>>, vector<64x128xf32>,
      } else {
      }
      %gt3A_71 = arith.constant 0 : i32
      %gt3A_72 = arith.cmpi sgt, %arg0, %gt3A_71 : i32
      %convert_element_type3A_73 = arith.extui %gt3A_72 : i1 to i32
      %cond3A_74 = arith.constant 0 : i32
      %cond3A_75 = arith.cmpi ne, %convert_element_type3A_73, %cond3A_74 : i32
      scf.if %cond3A_75 {
        %get3A_81 = arith.constant 0 : index
        %get3A_82 = arith.constant 0 : index
        %get3A_83 = vector.load %arg9[%get3A_81, %get3A_82] : memref<64x128xf32, #tpu.memory_space<vmem>>, vector<64x128xf32>
        %add3A_84 = arith.addf %get3A_83, %dot_general3A_65 : vector<64x128xf32>
        %swap3A_85 = arith.constant 0 : index
        %swap3A_86 = arith.constant 0 : index
        %swap3A_87 = vector.load %arg9[%swap3A_85, %swap3A_86] : memref<64x128xf32, #tpu.memory_space<vmem>>, vector<64x128xf32>
        tpu.vector_store %arg9[%swap3A_85, %swap3A_86], %add3A_84 {strides = array<i32>} : memref<64x128xf32, #tpu.memory_space<vmem>>, vector<64x128xf32>,
      } else {
      }
      %eq3A_76 = arith.constant 15 : i32
      %eq3A_77 = arith.cmpi eq, %arg0, %eq3A_76 : i32
      %convert_element_type3A_78 = arith.extui %eq3A_77 : i1 to i32
      %cond3A_79 = arith.constant 0 : i32
      %cond3A_80 = arith.cmpi ne, %convert_element_type3A_78, %cond3A_79 : i32
      scf.if %cond3A_80 {
        %get3A_81 = arith.constant 0 : index
        %get3A_82 = arith.constant 0 : index
        %get3A_83 = vector.load %arg9[%get3A_81, %get3A_82] : memref<64x128xf32, #tpu.memory_space<vmem>>, vector<64x128xf32>
        %div3A = arith.constant 1.638400e+04 : f32
        %div3A_84 = vector.broadcast %div3A : f32 to vector<64x128xf32>
        %div3A_85 = arith.divf %get3A_83, %div3A_84 : vector<64x128xf32>
        %jit3A_86 = arith.constant 1.000000e-10 : f32
        %max3A = vector.broadcast %jit3A_86 : f32 to vector<64x128xf32>
        %max3A_87 = arith.maximumf %max3A, %div3A_85 : vector<64x128xf32>
        %log3A = math.log %max3A_87 : vector<64x128xf32>
        %mul3A_88 = arith.mulf %div3A_85, %log3A : vector<64x128xf32>
        %reduce_sum3A_89 = vector.shape_cast %mul3A_88 : vector<64x128xf32> to vector<1x64x128xf32>
        %reduce_sum3A_90 = arith.constant dense<0.000000e+00> : vector<1xf32>
        %reduce_sum3A_91 = vector.multi_reduction <add>, %reduce_sum3A_89, %reduce_sum3A_90 [1, 2] : vector<1x64x128xf32> to vector<1xf32>
        %reduce_sum3A_92 = vector.shape_cast %reduce_sum3A_91 : vector<1xf32> to vector<1x1x1xf32>
        %reduce_sum3A_93 = vector.extract %reduce_sum3A_92[0, 0, 0] : f32 from vector<1x1x1xf32>
        %broadcast_in_dim3A_94 = vector.broadcast %reduce_sum3A_93 : f32 to vector<1x1xf32>
        %neg3A = arith.constant 0.000000e+00 : f32
        %neg3A_95 = vector.broadcast %neg3A : f32 to vector<1x1xf32>
        %neg3A_96 = arith.subf %neg3A_95, %broadcast_in_dim3A_94 : vector<1x1xf32>
        %exp3A = math.exp %neg3A_96 : vector<1x1xf32>
        %swap3A_97 = arith.constant 0 : index
        %swap3A_98 = arith.constant 0 : index
        %swap3A_99 = vector.load %arg6[%swap3A_97, %swap3A_98] : memref<1x1xf32, #tpu.memory_space<vmem>>, vector<1x1xf32>
        tpu.vector_store %arg6[%swap3A_97, %swap3A_98], %exp3A {strides = array<i32>} : memref<1x1xf32, #tpu.memory_space<vmem>>, vector<1x1xf32>,
      } else {
      }
    } else {
    }
    return
  }
  func.func @transform_0(%arg0: i32, %arg1: i32) -> (i32, i32, i32) {
    %c0_i32 = arith.constant 0 : i32
    %c0_i32_0 = arith.constant 0 : i32
    %c0_i32_1 = arith.constant 0 : i32
    return %arg0, %c0_i32, %c0_i32_0 : i32, i32, i32
  }
  func.func @transform_1(%arg0: i32, %arg1: i32) -> (i32, i32, i32) {
    %c0_i32 = arith.constant 0 : i32
    %c0_i32_0 = arith.constant 0 : i32
    %c0_i32_1 = arith.constant 0 : i32
    return %arg0, %c0_i32, %c0_i32_0 : i32, i32, i32
  }
  func.func @transform_2(%arg0: i32, %arg1: i32) -> (i32, i32) {
    %c0_i32 = arith.constant 0 : i32
    %c0_i32_0 = arith.constant 0 : i32
    return %arg1, %c0_i32 : i32, i32
  }
  func.func @transform_3(%arg0: i32, %arg1: i32) -> (i32, i32, i32) {
    %c0_i32 = arith.constant 0 : i32
    %c0_i32_0 = arith.constant 0 : i32
    %c0_i32_1 = arith.constant 0 : i32
    return %arg0, %c0_i32, %c0_i32_0 : i32, i32, i32
  }
  func.func @transform_4(%arg0: i32, %arg1: i32) -> (i32, i32) {
    %c0_i32 = arith.constant 0 : i32
    %c0_i32_0 = arith.constant 0 : i32
    %c0_i32_1 = arith.constant 0 : i32
    return %c0_i32, %c0_i32_0 : i32, i32
  }
}

</mosaic_0001>

<sc_bundles>
// kernel: kernel.4.cloned.1.call-start
scs
__scs_entry_jumppad:
0x0: {  	(pc) =	sbr.rel $0x88, $3  }
0x1: {  	(tag) =	ssettag $0x0;
	lr =	simm.s32 $0x1  }
0x2: {  	[smem:$0x3F9F] =	sst lr;
	_ =	strace $0xD0000000  }
0x3: {  	_ = 	snop  }
0x4: {  	_ = 	snop  }
0x5: {  	_ = 	snop  }
0x6: {  	_ = 	snop  }
0x7: {  	_ = 	snop  }
__scs_overlays_trampoline_lowered:
0x8: {  	[smem:$0x3FAE] =	sst s0  }
0x9: {  	[smem:$0x3FAF] =	sst s1  }
0xa: {  	[smem:$0x3FB0] =	sst s2  }
0xb: {  	[smem:$0x3FB1] =	sst s3  }
0xc: {  	[smem:$0x3FB2] =	sst s4  }
0xd: {  	[smem:$0x3FB3] =	sst s5  }
0xe: {  	[smem:$0x3FB4] =	sst s6  }
0xf: {  	[smem:$0x3FB5] =	sst s7  }
0x10: {  	[smem:$0x3FB6] =	sst s8  }
0x11: {  	[smem:$0x3FB7] =	sst s9;
	s0 =	simm.s32 @!p0 $0x0  }
0x12: {  	s1 =	sld [smem:$0x3F9D];
	s0 =	simm.s32 @p0 $0x1  }
0x13: {  	[smem:$0x3FB8] =	sst s0;
	s0 =	simm.s32 @!p1 $0x0  }
0x14: {  	s2 =	sld [smem:$0x3F9C];
	s0 =	simm.s32 @p1 $0x1  }
0x15: {  	[smem:$0x3FB9] =	sst s0;
	s0 =	simm.s32 @!p2 $0x0  }
0x16: {  	s3 =	sld [smem:$0x3FDB];
	s0 =	simm.s32 @p2 $0x1  }
0x17: {  	s4 =	simm.s32 $0x1BF5;
	[smem:$0x3FBB] =	sst s0  }
0x18: {  	s0 =	sld [smem:$0x3F9E];
	_ =	swait.ge [sflag:s4], $0x0  }
0x19: {  	s7 =	sld [smem:$0x3F9F]  }
0x1a: {  	s8 =	sadd.s32 $0xFFFFE003, lr  }
0x1b: {  	s9 =	sadd.s32 $0xFFFFFEF7, lr;
	s5 =	simm.s32 $0xFFFFFFFF;
	p2 =	slt.u32 s8, $0xFFFFF086  }
0x1c: {  	p1 =	slt.u32 s9, $0xF7A;
	s5 =	simm.s32 @!p2 $0x0  }
0x1d: {  	s5 =	simm.s32 @p1 $0x1;
	p0 =	seq.s32 s7, s2  }
0x1e: {  	s7 =	smul.u32 @!p0 $0xF7A, s2;
	p2 =	seq.s32 @!p0 s5, $0x0  }
0x1f: {  	s9 =	smul.u32 $0xF7A, s1;
	s8 =	simm.s32 @!p0 $0x1BF5;
	p2 =	por !p2, p0  }
0x20: {  	[sflag:s8] =	ssyncset.s32 @!p0 $0xFFFFF086;
	s6 =	sadd.s32 @!p0 s3, s7;
	s7 =	simm.s32 @!p0 $0x108  }
0x21: {  	s3 =	sadd.s32 s3, s9;
	s6 =	sadd.s32 @!p0 $0x88, s6;
	s7 =	simm.s32 @p2 $0x1082  }
0x22: {  	[simem:s7], [sflag:s8] =	dma.local @!p0 [hbm:s6], $0xF7A  }
0x23: {  	s9 =	sor.u32 $0xD0000000, s2;
	s6 =	simm.s32 $0x108;
	_ =	swait.ge @!p0 [sflag:s8], $0x0  }
0x24: {  	s3 =	sadd.s32 $0x88, s3;
	s6 =	simm.s32 @!p1 $0x1082;
	[sflag:s4] =	ssyncset.s32 $0xFFFFF086  }
0x25: {  	[simem:s6], [sflag:s4] =	dma.local [hbm:s3], $0xF7A  }
0x26: {  	[smem:$0x3F9F] =	sst s1;
	(tag) =	ssettag s2;
	_ =	strace s9  }
0x27: {  	s1 =	sld [smem:$0x3FAF]  }
0x28: {  	s2 =	sld [smem:$0x3FB0]  }
0x29: {  	s4 =	sld [smem:$0x3FB2]  }
0x2a: {  	p0 =	seq.s32 s5, $0x0;
	s5 =	sld [smem:$0x3FB3]  }
0x2b: {  	s6 =	sld [smem:$0x3FB4]  }
0x2c: {  	s7 =	sld [smem:$0x3FB5]  }
0x2d: {  	s3 =	simm.s32 $0x108;
	s8 =	sld [smem:$0x3FB6]  }
0x2e: {  	s3 =	simm.s32 @!p0 $0x1082;
	s9 =	sld [smem:$0x3FB7]  }
0x2f: {  	lr =	sadd.s32 s0, s3;
	s0 =	sld [smem:$0x3FAE]  }
0x30: {  	s3 =	sld [smem:$0x3FB1]  }
0x31: {  	[smem:$0x3FBA] =	sst s10  }
0x32: {  	s10 =	sld [smem:$0x3FB8];
	_ =	sdelay $0x3  }
0x33: {  	p0 =	seq.s32 s10, $0x1;
	s10 =	sld [smem:$0x3FBA];
	_ =	sdelay $0x3  }
0x34: {  	[smem:$0x3FBA] =	sst s10  }
0x35: {  	s10 =	sld [smem:$0x3FB9];
	_ =	sdelay $0x3  }
0x36: {  	p1 =	seq.s32 s10, $0x1;
	s10 =	sld [smem:$0x3FBA];
	_ =	sdelay $0x3  }
0x37: {  	[smem:$0x3FBA] =	sst s10  }
0x38: {  	s10 =	sld [smem:$0x3FBB]  }
0x39: {  	_ = 	snop;
	(pc) =	sbr.ind lr, $3  }
0x3a: {  	_ = 	snop  }
0x3b: {  	_ = 	snop  }
0x3c: {  	p2 =	seq.s32 s10, $0x1;
	s10 =	sld [smem:$0x3FBA]  }
0x3d: {  	_ =	shalt  }
0x3e: {  	_ =	shalt  }
0x3f: {  	_ =	shalt  }
0x40: {  	_ =	shalt  }
0x41: {  	_ =	shalt  }
0x42: {  	_ =	shalt  }
0x43: {  	_ =	shalt  }
0x44: {  	_ =	shalt  }
0x45: {  	_ =	shalt  }
0x46: {  	_ =	shalt  }
0x47: {  	_ =	shalt  }
0x48: {  	_ =	shalt  }
0x49: {  	_ =	shalt  }
0x4a: {  	_ =	shalt  }
0x4b: {  	_ =	shalt  }
0x4c: {  	_ =	shalt  }
0x4d: {  	_ =	shalt  }
0x4e: {  	_ =	shalt  }
0x4f: {  	_ =	shalt  }
0x50: {  	_ =	shalt  }
0x51: {  	_ =	shalt  }
0x52: {  	_ =	shalt  }
0x53: {  	_ =	shalt  }
0x54: {  	_ =	shalt  }
0x55: {  	_ =	shalt  }
0x56: {  	_ =	shalt  }
0x57: {  	_ =	shalt  }
0x58: {  	_ =	shalt  }
0x59: {  	_ =	shalt  }
0x5a: {  	_ =	shalt  }
0x5b: {  	_ =	shalt  }
0x5c: {  	_ =	shalt  }
0x5d: {  	_ =	shalt  }
0x5e: {  	_ =	shalt  }
0x5f: {  	_ =	shalt  }
0x60: {  	_ =	shalt  }
0x61: {  	_ =	shalt  }
0x62: {  	_ =	shalt  }
0x63: {  	_ =	shalt  }
0x64: {  	_ =	shalt  }
0x65: {  	_ =	shalt  }
0x66: {  	_ =	shalt  }
0x67: {  	_ =	shalt  }
0x68: {  	_ =	shalt  }
0x69: {  	_ =	shalt  }
0x6a: {  	_ =	shalt  }
0x6b: {  	_ =	shalt  }
0x6c: {  	_ =	shalt  }
0x6d: {  	_ =	shalt  }
0x6e: {  	_ =	shalt  }
0x6f: {  	_ =	shalt  }
0x70: {  	_ =	shalt  }
0x71: {  	_ =	shalt  }
0x72: {  	_ =	shalt  }
0x73: {  	_ =	shalt  }
0x74: {  	_ =	shalt  }
0x75: {  	_ =	shalt  }
0x76: {  	_ =	shalt  }
0x77: {  	_ =	shalt  }
0x78: {  	_ =	shalt  }
0x79: {  	_ =	shalt  }
0x7a: {  	_ =	shalt  }
0x7b: {  	_ =	shalt  }
0x7c: {  	_ =	shalt  }
0x7d: {  	_ =	shalt  }
0x7e: {  	_ =	shalt  }
0x7f: {  	_ =	shalt  }
0x80: {  	_ =	shalt  }
0x81: {  	_ =	shalt  }
0x82: {  	_ =	shalt  }
0x83: {  	_ =	shalt  }
0x84: {  	_ =	shalt  }
0x85: {  	_ =	shalt  }
0x86: {  	_ =	shalt  }
0x87: {  	_ =	shalt  }
.Lfunc_end0:
.L_simem_size_0:
called_computation_lowered:
.L_overlay_start_0:
0x88: {  	s2 =	sld [smem:$0x3FD9]  }
0x89: {  	s3 =	sld [smem:$0x3FFE];
	_ =	sdelay $0x1  }
0x8a: {  	s1 =	srdreg.scid  }
0x8b: {  	s0 =	sand.u32 $0x1, s1  }
0x8c: {  	s15 =	sshll.u32 s0, $0xA;
	s2 =	sadd.s32 s3, s2  }
0x8d: {  	s2 =	sadd.s32 s2, s15  }
0x8e: {  	[smem:$0x3FC6] =	sst s2  }
0x8f: {  	_ = 	snop  }
0x90: {  	s2 =	sld [smem:$0x3FD0];
	_ =	sdelay $0x2  }
0x91: {  	s4 =	simm.s32 $0xA;
	s5 =	simm.s32 $0x10;
	s16 =	sld [smem:$0x3FC8]  }
0x92: {  	[smem:s5], [sflag:s4] =	dma.local [hbm:s2], $0x1  }
0x93: {  	_ =	swait.eq [sflag:s4], $0x1  }
0x94: {  	[sflag:s4] =	ssyncset.done $0x0  }
0x95: {  	s17 =	sld [smem:$0x10];
	[sflag:s4] =	ssyncadd.s32 $0xFFFFFFFF  }
0x96: {  	s18 =	sld [smem:$0x12];
	(tm) =	ssettm $0x1  }
0x97: {  	s19 =	sld [smem:$0x3FFB];
	_ =	sdelay $0x3  }
0x98: {  	_ =	strace s19  }
0x99: {  	s5 =	sld [smem:$0x3FFC];
	_ =	sdelay $0x3  }
0x9a: {  	_ =	strace s5  }
0x9b: {  	s5 =	sld [smem:$0x3FFD];
	_ =	sdelay $0x3  }
0x9c: {  	_ =	strace s5  }
0x9d: {  	_ =	strace $0x8FFFFFFF  }
0x9e: {  	s20 =	sld [smem:$0x3FDB];
	_ =	sdelay $0x1  }
0x9f: {  	s6 =	simm.s32 $_scs_section_size  }
0xa0: {  	s7 =	simm.s32 $_size__tile_overlayer_lowered;
	s8 =	simm.s32 $_tile_overlayer_lowered  }
0xa1: {  	s23 =	simm.s32 $0x1BFF;
	s22 =	sshll.u32 s8, $0x1;
	s5 =	sadd.s32 s6, s20  }
0xa2: {  	s9 =	simm.s32 $0x0;
	s21 =	sshll.u32 s7, $0x1;
	s7 =	sadd.s32 s22, s5  }
0xa3: {  	[timem:s9], [sflag:s23] =	dma.local [hbm:s7], s21  }
0xa4: {  	_ =	swait.ge [sflag:s23], s21  }
0xa5: {  	s6 =	ssub.s32 $0x0, s21;
	[sflag:s23] =	ssyncset.done $0x0  }
0xa6: {  	[sflag:s23] =	ssyncadd.s32 s6;
	_ =	sdelay $0x1  }
0xa7: {  	s24 =	simm.s32 $0x1B8B  }
0xa8: {  	_ =	swait.ge [sflag:s24], $0x1  }
0xa9: {  	[sflag:s24] =	ssyncset.done $0x0  }
0xaa: {  	s25 =	simm.s32 $0x1B8E;
	[sflag:s24] =	ssyncadd.s32 $0xFFFFFFFF  }
0xab: {  	s26 =	simm.s32 $execute0_lowered;
	[smem:$0x3FD2] =	sst s25  }
0xac: {  	s6 =	sshll.u32 s26, $0x1;
	_ =	strace $0x80000046;
	[dreg:$0x1] =	wrdreg $0xFFFFFFFF  }
0xad: {  	s28 =	simm.s32 $_size_execute0_lowered;
	s5 =	sadd.s32 s5, s6;
	[dreg:$0x0] =	wrdreg $0x0  }
0xae: {  	s6 =	sshll.u32 s28, $0x1;
	[dreg:$0x2] =	wrdreg s5  }
0xaf: {  	[dreg:$0x3] =	wrdreg s6  }
0xb0: {  	[dreg:$0x4] =	wrdreg $0xC0  }
0xb1: {  	_ =	task [dreg:s9], $0x5FFFF  }
0xb2: {  	[dreg:$0x1] =	wrdreg $0xFFFFFFFF  }
0xb3: {  	[dreg:$0x0] =	wrdreg $0x60  }
0xb4: {  	[dreg:$0x2] =	wrdreg s16  }
0xb5: {  	[dreg:$0x3] =	wrdreg s18  }
0xb6: {  	[dreg:$0x4] =	wrdreg s17  }
0xb7: {  	[dreg:$0x5] =	wrdreg $0x9  }
0xb8: {  	_ =	task.clear_ibuf [dreg:s9], $0x6FFFF;
	_ =	strace $0x90000046  }
0xb9: {  	s29 =	simm.s32 $0x9;
	_ =	strace $0x80000048  }
0xba: {  	_ =	swait.ge [sflag:s29], $0x1  }
0xbb: {  	[sflag:s29] =	ssyncadd.s32 $0xFFFFFFFF  }
0xbc: {  	_ =	strace $0x90000048  }
0xbd: {  	_ =	sfence  }
0xbe: {  	s30 =	sld [smem:$0x0];
	_ =	sdelay $0x2  }
0xbf: {  	s31 =	sshll.u32 s1, $0xD;
	s1 =	sshrl.u32 s1, $0x2  }
0xc0: {  	s3 =	sand.u32 $0x4000, s31;
	s1 =	sadd.s32 s1, s30  }
0xc1: {  	s0 =	sor.u32 s3, s0;
	s1 =	sshll.u32 s1, $0x11  }
0xc2: {  	s0 =	sor.u32 s1, s0  }
0xc3: {  	s0 =	sadd.s32 $0x8F2B, s0  }
0xc4: {  	[sflag:s0] =	ssyncadd.remote.s32 $0x1  }
0xc5: {  	_ =	sfence.sel $0xFFFF  }
0xc6: {  	[dreg:$0x0] =	wrdreg $0xFFFFFFFF;
	(pc) =	sbr.abs _section_cstart, $3  }
0xc7: {  	[dreg:$0x1] =	wrdreg $0xFFFFFFFF  }
0xc8: {  	_ =	task.clear_ibuf [dreg:s9], $0x2FFFF;
	_ =	strace $0x9FFFFFFF  }
0xc9: {  	(tm) =	ssettm $0x7FFFFFFF  }
tec
execute0_lowered:
.L_overlay_start_1:
0x0: {  	(tag) =	ssettag $0x1  }
0x1: {  	s1 =	rddreg [dreg:$0x0]  }
0x2: {  	s6 =	rddreg [dreg:$0x1]  }
0x3: {  	s5 =	rddreg [dreg:$0x2]  }
0x4: {  	s3 =	srdreg.scid;
	s0 =	rddreg [dreg:$0x3];
	s2 =	simm.s32 $0x0  }
0x5: {  	s11 =	simm.s32 $0x1880;
	s12 =	simm.s32 $0x2080;
	s13 =	simm.s32 $0x2880  }
0x6: {  	s14 =	simm.s32 $0x3080;
	s15 =	simm.s32 $0x3880;
	s16 =	simm.s32 $0x4080  }
0x7: {  	s17 =	simm.s32 $0x4880;
	s18 =	simm.s32 $0x5080;
	s19 =	simm.s32 $0x5880  }
0x8: {  	s20 =	simm.s32 $0x6080;
	s21 =	simm.s32 $0x6880;
	s22 =	simm.s32 $0x7080  }
0x9: {  	s23 =	simm.s32 $0x7880;
	s24 =	simm.s32 $0x1;
	s25 =	simm.s32 $0x0  }
0xa: {  	s7 =	sand.u32 $0x1, s3;
	[smem:$0x7FF] =	sst s2;
	s3 =	stileid.u32  }
0xb: {  	s4 =	ssub.s32 $0x2, s7;
	_ =	strace $0x80000047;
	s31 =	sshll.u32 s3, $0xA  }
0xc: {  	s9 =	sshll.u32 s7, $0x9;
	s10 =	sshll.u32 s3, $0xF;
	s7 =	sshll.u32 s7, $0xE  }
0xd: {  	s8 =	sshrl.u32 s4, $0x1;
	s5 =	sadd.s32 s10, s5;
	s10 =	simm.s32 $0x1080  }
0xe: {  	v2 =	vlaneseq.u32;
	s4 =	ssub.s32 s4, s8;
	s8 =	sor.u32 s9, s31;
	s5 =	sadd.s32 s7, s5  }
0xf: {  	vm0 =	vmmov $0xffff;
	v1 =	vshrl.u32 v2, $0x3;
	s7 =	simm.s32 $0x2;
	s9 =	simm.s32 $0x880;
	s8 =	sshrl.u32 s8, $0x3  }
0x10: {  	v0 =	vand.u32 $0x7, v2;
	v2 =	vor.u32 $0x8, v2;
	v1 =	vmul.u32 $0x8, v1;
	s4 =	smax.u32 s4, $0x1;
	s6 =	sadd.s32 s8, s6;
	s8 =	simm.s32 $0x80  }
.LBB2_1:
0x11: {  	s26 =	smov.u32 s5;
	s28 =	simm.s32 $0x0  }
.LBB2_2:
0x12: {  	s29 =	sadd.s32 s28, s6  }
0x13: {  	[tilespmem:s2], [sflag:$0x2] =	stream.linear.gather [hbm4b:s29+s2], $0x80, $0x38;
	[tilespmem:$0x8080] =	vst v63  }
0x14: {  	_ =	swait.ge [sflag:s7], $0x80  }
0x15: {  	[sflag:s7] =	ssyncset.done $0x0  }
0x16: {  	[sflag:s7] =	ssyncadd.s32 $0xFFFFFF80  }
0x17: {  	v3 =	vld [tilespmem:$0x0];
	_ =	sdelay $0x4  }
0x18: {  	v4 =	vshll.u32 v3, $0x1  }
0x19: {  	v3 =	vand.u32 $0x7, v3;
	v4 =	vand.u32 $0xFFFFFFF0, v4  }
0x1a: {  	v3 =	vor.u32 v3, v4  }
0x1b: {  	v4 =	vperm.xlane v3, v0;
	_ =	sdelay $0x1  }
0x1c: {  	v3 =	vperm.xlane v3, v2;
	v4 =	vadd.s32 v1, v4;
	_ =	sdelay $0x1  }
0x1d: {  	v3 =	vadd.s32 v1, v3;
	_ =	sdelay $0x2  }
0x1e: {  	[tilespmem:s8], [sflag:$0x1] =	stream.indirect_vreg.gather [hbm4b:s1+s2], $0x80, v4, vm0, $0xb8;
	[tilespmem:$0x8080] =	vst v63  }
0x1f: {  	_ = 	snop  }
0x20: {  	[tilespmem:s9], [sflag:$0x1] =	stream.indirect_vreg.gather [hbm4b:s1+s2], $0x80, v3, vm0, $0xb8;
	[tilespmem:$0x8080] =	vst v63  }
0x21: {  	v3 =	vld [tilespmem:$0x10];
	_ =	sdelay $0x4  }
0x22: {  	v57 =	vshll.u32 v3, $0x1  }
0x23: {  	v3 =	vand.u32 $0x7, v3;
	v4 =	vand.u32 $0xFFFFFFF0, v57  }
0x24: {  	v3 =	vor.u32 v3, v4  }
0x25: {  	v4 =	vperm.xlane v3, v0;
	_ =	sdelay $0x1  }
0x26: {  	v3 =	vperm.xlane v3, v2;
	v4 =	vadd.s32 v1, v4;
	_ =	sdelay $0x1  }
0x27: {  	v3 =	vadd.s32 v1, v3;
	_ =	sdelay $0x2  }
0x28: {  	[tilespmem:s10], [sflag:$0x1] =	stream.indirect_vreg.gather [hbm4b:s1+s2], $0x80, v4, vm0, $0xb8;
	[tilespmem:$0x8080] =	vst v63  }
0x29: {  	_ = 	snop  }
0x2a: {  	[tilespmem:s11], [sflag:$0x1] =	stream.indirect_vreg.gather [hbm4b:s1+s2], $0x80, v3, vm0, $0xb8;
	[tilespmem:$0x8080] =	vst v63  }
0x2b: {  	v3 =	vld [tilespmem:$0x20];
	_ =	sdelay $0x4  }
0x2c: {  	v58 =	vshll.u32 v3, $0x1  }
0x2d: {  	v3 =	vand.u32 $0x7, v3;
	v4 =	vand.u32 $0xFFFFFFF0, v58  }
0x2e: {  	v3 =	vor.u32 v3, v4  }
0x2f: {  	v4 =	vperm.xlane v3, v0;
	_ =	sdelay $0x1  }
0x30: {  	v3 =	vperm.xlane v3, v2;
	v4 =	vadd.s32 v1, v4;
	_ =	sdelay $0x1  }
0x31: {  	v3 =	vadd.s32 v1, v3;
	_ =	sdelay $0x2  }
0x32: {  	[tilespmem:s12], [sflag:$0x1] =	stream.indirect_vreg.gather [hbm4b:s1+s2], $0x80, v4, vm0, $0xb8;
	[tilespmem:$0x8080] =	vst v63  }
0x33: {  	_ = 	snop  }
0x34: {  	[tilespmem:s13], [sflag:$0x1] =	stream.indirect_vreg.gather [hbm4b:s1+s2], $0x80, v3, vm0, $0xb8;
	[tilespmem:$0x8080] =	vst v63  }
0x35: {  	v3 =	vld [tilespmem:$0x30];
	_ =	sdelay $0x4  }
0x36: {  	v59 =	vshll.u32 v3, $0x1  }
0x37: {  	v3 =	vand.u32 $0x7, v3;
	v4 =	vand.u32 $0xFFFFFFF0, v59  }
0x38: {  	v3 =	vor.u32 v3, v4  }
0x39: {  	v4 =	vperm.xlane v3, v0;
	_ =	sdelay $0x1  }
0x3a: {  	v3 =	vperm.xlane v3, v2;
	v4 =	vadd.s32 v1, v4;
	_ =	sdelay $0x1  }
0x3b: {  	v3 =	vadd.s32 v1, v3;
	_ =	sdelay $0x2  }
0x3c: {  	[tilespmem:s14], [sflag:$0x1] =	stream.indirect_vreg.gather [hbm4b:s1+s2], $0x80, v4, vm0, $0xb8;
	[tilespmem:$0x8080] =	vst v63  }
0x3d: {  	_ = 	snop  }
0x3e: {  	[tilespmem:s15], [sflag:$0x1] =	stream.indirect_vreg.gather [hbm4b:s1+s2], $0x80, v3, vm0, $0xb8;
	[tilespmem:$0x8080] =	vst v63  }
0x3f: {  	v3 =	vld [tilespmem:$0x40];
	_ =	sdelay $0x4  }
0x40: {  	v60 =	vshll.u32 v3, $0x1  }
0x41: {  	v3 =	vand.u32 $0x7, v3;
	v4 =	vand.u32 $0xFFFFFFF0, v60  }
0x42: {  	v3 =	vor.u32 v3, v4  }
0x43: {  	v4 =	vperm.xlane v3, v0;
	_ =	sdelay $0x1  }
0x44: {  	v3 =	vperm.xlane v3, v2;
	v4 =	vadd.s32 v1, v4;
	_ =	sdelay $0x1  }
0x45: {  	v3 =	vadd.s32 v1, v3;
	_ =	sdelay $0x2  }
0x46: {  	[tilespmem:s16], [sflag:$0x1] =	stream.indirect_vreg.gather [hbm4b:s1+s2], $0x80, v4, vm0, $0xb8;
	[tilespmem:$0x8080] =	vst v63  }
0x47: {  	_ = 	snop  }
0x48: {  	[tilespmem:s17], [sflag:$0x1] =	stream.indirect_vreg.gather [hbm4b:s1+s2], $0x80, v3, vm0, $0xb8;
	[tilespmem:$0x8080] =	vst v63  }
0x49: {  	v3 =	vld [tilespmem:$0x50];
	_ =	sdelay $0x4  }
0x4a: {  	v61 =	vshll.u32 v3, $0x1  }
0x4b: {  	v3 =	vand.u32 $0x7, v3;
	v4 =	vand.u32 $0xFFFFFFF0, v61  }
0x4c: {  	v3 =	vor.u32 v3, v4  }
0x4d: {  	v4 =	vperm.xlane v3, v0;
	_ =	sdelay $0x1  }
0x4e: {  	v3 =	vperm.xlane v3, v2;
	v4 =	vadd.s32 v1, v4;
	_ =	sdelay $0x1  }
0x4f: {  	v3 =	vadd.s32 v1, v3;
	_ =	sdelay $0x2  }
0x50: {  	[tilespmem:s18], [sflag:$0x1] =	stream.indirect_vreg.gather [hbm4b:s1+s2], $0x80, v4, vm0, $0xb8;
	[tilespmem:$0x8080] =	vst v63  }
0x51: {  	_ = 	snop  }
0x52: {  	[tilespmem:s19], [sflag:$0x1] =	stream.indirect_vreg.gather [hbm4b:s1+s2], $0x80, v3, vm0, $0xb8;
	[tilespmem:$0x8080] =	vst v63  }
0x53: {  	v3 =	vld [tilespmem:$0x60];
	_ =	sdelay $0x4  }
0x54: {  	v62 =	vshll.u32 v3, $0x1  }
0x55: {  	v3 =	vand.u32 $0x7, v3;
	v4 =	vand.u32 $0xFFFFFFF0, v62  }
0x56: {  	v3 =	vor.u32 v3, v4  }
0x57: {  	v4 =	vperm.xlane v3, v0;
	_ =	sdelay $0x1  }
0x58: {  	v3 =	vperm.xlane v3, v2;
	v4 =	vadd.s32 v1, v4;
	_ =	sdelay $0x1  }
0x59: {  	v3 =	vadd.s32 v1, v3;
	_ =	sdelay $0x2  }
0x5a: {  	[tilespmem:s20], [sflag:$0x1] =	stream.indirect_vreg.gather [hbm4b:s1+s2], $0x80, v4, vm0, $0xb8;
	[tilespmem:$0x8080] =	vst v63  }
0x5b: {  	_ = 	snop  }
0x5c: {  	[tilespmem:s21], [sflag:$0x1] =	stream.indirect_vreg.gather [hbm4b:s1+s2], $0x80, v3, vm0, $0xb8;
	[tilespmem:$0x8080] =	vst v63  }
0x5d: {  	v3 =	vld [tilespmem:$0x70];
	_ =	sdelay $0x4  }
0x5e: {  	v63 =	vshll.u32 v3, $0x1  }
0x5f: {  	v3 =	vand.u32 $0x7, v3;
	v4 =	vand.u32 $0xFFFFFFF0, v63  }
0x60: {  	v3 =	vor.u32 v3, v4  }
0x61: {  	v4 =	vperm.xlane v3, v0;
	_ =	sdelay $0x1  }
0x62: {  	v3 =	vperm.xlane v3, v2;
	v4 =	vadd.s32 v1, v4;
	_ =	sdelay $0x1  }
0x63: {  	v3 =	vadd.s32 v1, v3;
	_ =	sdelay $0x2  }
0x64: {  	[tilespmem:s22], [sflag:$0x1] =	stream.indirect_vreg.gather [hbm4b:s1+s2], $0x80, v4, vm0, $0xb8;
	[tilespmem:$0x8080] =	vst v63  }
0x65: {  	_ = 	snop  }
0x66: {  	[tilespmem:s23], [sflag:$0x1] =	stream.indirect_vreg.gather [hbm4b:s1+s2], $0x80, v3, vm0, $0xb8;
	[tilespmem:$0x8080] =	vst v63  }
0x67: {  	_ =	swait.ge [sflag:s24], $0x8000  }
0x68: {  	p0 =	sne.s32 s28, $0x30;
	[sflag:s24] =	ssyncset.done $0x0  }
.Ltmp0:
0x69: {  	[sflag:s24] =	ssyncadd.s32 $0xFFFF8000;
	(pc) =	sbr.rel @p0 .LBB2_2-.Ltmp0, $4  }
0x6a: {  	[hbm4b:s26+s2] =	stream.linear.scatter [tilespmem:s8], [sflag:$0x2], $0x8000, $0x38;
	[tilespmem:$0x8080] =	vst v63  }
0x6b: {  	_ =	swait.ge [sflag:s7], $0x8000  }
0x6c: {  	[sflag:s7] =	ssyncset.done $0x0  }
0x6d: {  	s28 =	sadd.s32 $0x10, s28;
	s26 =	sadd.s32 $0x1000, s26;
	[sflag:s7] =	ssyncadd.s32 $0xFFFF8000  }
0x6e: {  	s25 =	sadd.s32 $0x1, s25  }
0x6f: {  	p0 =	sne.s32 s25, s4  }
.Ltmp1:
0x70: {  	_ = 	snop;
	(pc) =	sbr.rel @p0 .LBB2_1-.Ltmp1, $1  }
0x71: {  	_ =	sdelay $0x3  }
0x72: {  	_ =	sfence.sel $0x180000  }
0x73: {  	[bflag:$0x0] =	sbarrier.arrive $0xFFFF  }
0x74: {  	p0 =	sne.s32 s3, $0x0;
	_ =	strace $0x90000047  }
0x75: {  	s0 =	sadd.s32 @!p0 $0x100000, s0;
	[bflag:$0x2] =	sbarrier.arrive $0xFFFF  }
0x76: {  	[sflag:s0] =	ssyncadd.tile.s32 @!p0 $0x1;
	_ =	shalt  }
.Lfunc_end2:
_tile_overlayer_lowered:
.L_overlay_start_2:
0x77: {  	(tag) =	ssettag $0x2  }
0x78: {  	s0 =	rddreg [dreg:$0x0];
	s2 =	stileid.u32  }
0x79: {  	s1 =	rddreg [dreg:$0x1];
	p0 =	sne.s32 s2, $0x0  }
0x7a: {  	s3 =	rddreg [dreg:$0x2];
	[bflag:$0x3] =	sbarrier.arrive $0xFFFF;
	s2 =	simm.s32 @!p0 $0x1C02  }
0x7b: {  	[timem:s3], [sflag:s2] =	dma.local @!p0 [hbm:s0], s1  }
0x7c: {  	s0 =	simm.s32 @!p0 $0x2  }
0x7d: {  	_ =	swait.ge @!p0 [sflag:s0], s1  }
0x7e: {  	s1 =	ssub.s32 @!p0 $0x0, s1;
	[sflag:s0] =	ssyncset.done @!p0 $0x0  }
0x7f: {  	[sflag:s0] =	ssyncadd.s32 @!p0 s1  }
0x80: {  	[bflag:$0x3] =	sbarrier.arrive $0xFFFF  }
0x81: {  	_ =	shalt  }

</sc_bundles>
